<compile_context>
chip_gen: v7x
topology: tpu7x:2x2x1
jax: 0.10.2.dev20260603
libtpu: 0.0.44.dev20260713+nightly
codegen_flags: <defaults>
</compile_context>

<pallas_src>
import functools

import jax
import jax.numpy as jnp
from jax import lax
from jax.experimental import pallas as pl
from jax.experimental.pallas import tpu as pltpu
from jax.experimental.pallas import tpu_sc as plsc

N = 10000
E = 160000
R = 160
C = 1024
EP = R * C
BOND_TARGET = 1.5
ANGLE_TARGET = 1.9111355309200186
PI = 3.141592653589793

_NC, _NS, _L = 2, 16, 16
NW = _NC * _NS
CH = EP // NW


def _sc_body(cx, cy, cz, srcs, dsts, ox, oy, oz,
             cxv, cyv, czv, sv, dv, dxv, dyv, dzv):
    wid = lax.axis_index("s") * _NC + lax.axis_index("c")
    base = wid * CH
    pltpu.sync_copy(cx.at[:], cxv)
    pltpu.sync_copy(cy.at[:], cyv)
    pltpu.sync_copy(cz.at[:], czv)
    pltpu.sync_copy(srcs.at[pl.ds(base, CH)], sv)
    pltpu.sync_copy(dsts.at[pl.ds(base, CH)], dv)

    def step(i, _):
        off = i * _L
        s16 = sv[pl.ds(off, _L)]
        d16 = dv[pl.ds(off, _L)]
        dxv[pl.ds(off, _L)] = (plsc.load_gather(cxv, [d16])
                               - plsc.load_gather(cxv, [s16]))
        dyv[pl.ds(off, _L)] = (plsc.load_gather(cyv, [d16])
                               - plsc.load_gather(cyv, [s16]))
        dzv[pl.ds(off, _L)] = (plsc.load_gather(czv, [d16])
                               - plsc.load_gather(czv, [s16]))
        return 0

    lax.fori_loop(0, CH // _L, step, 0)
    pltpu.sync_copy(dxv, ox.at[pl.ds(base, CH)])
    pltpu.sync_copy(dyv, oy.at[pl.ds(base, CH)])
    pltpu.sync_copy(dzv, oz.at[pl.ds(base, CH)])


@functools.cache
def _sc_gather():
    return pl.kernel(
        _sc_body,
        out_type=[jax.ShapeDtypeStruct((EP,), jnp.float32)] * 3,
        mesh=plsc.VectorSubcoreMesh(core_axis_name="c", subcore_axis_name="s"),
        compiler_params=pltpu.CompilerParams(needs_layout_passes=False),
        scratch_types=(
            [pltpu.VMEM((N,), jnp.float32)] * 3
            + [pltpu.VMEM((CH,), jnp.int32)] * 2
            + [pltpu.VMEM((CH,), jnp.float32)] * 3
        ),
    )


def _acos(x):
    a = jnp.abs(x)
    p = jnp.float32(-0.0187293)
    p = p * a + jnp.float32(0.0742610)
    p = p * a + jnp.float32(-0.2121144)
    p = p * a + jnp.float32(1.5707288)
    r = jnp.sqrt(jnp.float32(1.0) - a) * p
    return jnp.where(x < 0, jnp.float32(PI) - r, r)


def _flat_roll1(a):
    left = a[:, 1:]
    wrap = jnp.roll(a[:, :1], -1, axis=0)
    return jnp.concatenate([left, wrap], axis=1)


def _tc_body(src_ref, dx_ref, dy_ref, dz_ref, out_ref):
    src = src_ref[...]
    dx = dx_ref[...]
    dy = dy_ref[...]
    dz = dz_ref[...]
    idx = (lax.broadcasted_iota(jnp.int32, (R, C), 0) * C
           + lax.broadcasted_iota(jnp.int32, (R, C), 1))

    dist2 = dx * dx + dy * dy + dz * dz
    dist = jnp.sqrt(dist2 + jnp.float32(1e-8))
    bdev = dist - jnp.float32(BOND_TARGET)
    bond_sum = jnp.sum(jnp.where(idx < E, bdev * bdev, jnp.float32(0.0)))

    inv = jnp.float32(1.0) / (jnp.sqrt(dist2) + jnp.float32(1e-8))
    ux = dx * inv
    uy = dy * inv
    uz = dz * inv

    def cond(carry):
        return carry[1] > 0

    def _one_offset(ssh, xsh, ysh, zsh, sq_sum):
        valid = src == ssh
        cos = jnp.clip(ux * xsh + uy * ysh + uz * zsh,
                       jnp.float32(-0.999), jnp.float32(0.999))
        dev = _acos(cos) - jnp.float32(ANGLE_TARGET)
        sq_sum = sq_sum + jnp.sum(jnp.where(valid, dev * dev,
                                            jnp.float32(0.0)))
        return sq_sum, jnp.sum(valid.astype(jnp.int32))

    def body(carry):
        d, _, ssh, xsh, ysh, zsh, sq_sum, cnt = carry
        ssh = _flat_roll1(ssh)
        xsh = _flat_roll1(xsh)
        ysh = _flat_roll1(ysh)
        zsh = _flat_roll1(zsh)
        sq_sum, n1 = _one_offset(ssh, xsh, ysh, zsh, sq_sum)
        ssh = _flat_roll1(ssh)
        xsh = _flat_roll1(xsh)
        ysh = _flat_roll1(ysh)
        zsh = _flat_roll1(zsh)
        sq_sum, n2 = _one_offset(ssh, xsh, ysh, zsh, sq_sum)
        return (d + 2, n1 + n2, ssh, xsh, ysh, zsh, sq_sum, cnt + n1 + n2)

    carry0 = (jnp.int32(1), jnp.int32(1), src, ux, uy, uz,
              jnp.float32(0.0), jnp.int32(0))
    res = lax.while_loop(cond, body, carry0)
    sq_sum = res[6]
    cnt = res[7]
    loss = (bond_sum / jnp.float32(E)
            + sq_sum / jnp.maximum(cnt, 1).astype(jnp.float32))
    out_ref[...] = jnp.broadcast_to(loss, (1, 1))


_tc_loss = pl.pallas_call(
    _tc_body,
    out_shape=jax.ShapeDtypeStruct((1, 1), jnp.float32),
)


def kernel(coords, edge_index):
    src = edge_index[0]
    dst = edge_index[1]
    key = jnp.sort(src * 16384 + dst, stable=False)
    src_s = key >> 14
    dst_s = key & 16383
    zpad = jnp.zeros((EP - E,), jnp.int32)
    negpad = -1 - jnp.arange(EP - E, dtype=jnp.int32)
    src_tc = jnp.concatenate([src_s, negpad])
    src_sc = jnp.concatenate([src_s, zpad])
    dst_sc = jnp.concatenate([dst_s, zpad])
    cx = coords[:, 0]
    cy = coords[:, 1]
    cz = coords[:, 2]
    dx, dy, dz = _sc_gather()(cx, cy, cz, src_sc, dst_sc)
    out = _tc_loss(src_tc.reshape(R, C), dx.reshape(R, C),
                   dy.reshape(R, C), dz.reshape(R, C))
    return out[0, 0]

# --- scband reference (transcript-rebuilt; emitter-appended) ---
"""Pipeline reference for scband-physics-loss-79748952752291 (READ-ONLY COPY).

The authoritative reference and input builder live on the scoring server;
editing this copy changes nothing except your own understanding.
"""

import jax, jax.numpy as jnp
import numpy as np
from jax import lax

N = 10000
E = 160000
BOND_TARGET = 1.5
ANGLE_TARGET = 109.5 * np.pi / 180.0


def setup_inputs(seed: int = 0) -> dict:
    key = jax.random.key(seed)
    k1, k2 = jax.random.split(key)
    coords = jax.random.normal(k1, (N, 3), dtype=jnp.float32)
    edge_index = jax.random.randint(k2, (2, E), 0, N, dtype=jnp.int32)
    return {"coords": coords, "edge_index": edge_index}


def _physics_loss(coords, edge_index):
    src = edge_index[0]
    dst = edge_index[1]
    # ---- bond length loss: mse(sqrt(||c_src - c_dst||^2 + eps), 1.5) ----
    diff = coords[src] - coords[dst]
    dist2 = jnp.sum(diff * diff, axis=1)
    bond_loss = jnp.mean((jnp.sqrt(dist2 + 1e-08) - BOND_TARGET) ** 2)
    # ---- angle loss: for every node b, every unordered pair (a, c) of its
    # out-neighbors (dst[src == b]), angle(a, b, c); mse against 109.5 deg.
    # Vectorized: sort edges by src; an unordered neighbor pair of node b is
    # exactly a pair of sorted-edge positions (e, e + d) with the same src and
    # offset d >= 1, d < max_deg. Enumerating over d with fixed-shape shifted
    # comparisons yields the identical set of pairs as the padded-table triu
    # enumeration; mse is a mean so enumeration order is irrelevant. ----
    counts = jnp.bincount(src, length=N)
    max_deg = jnp.max(counts)
    order = jnp.argsort(src)
    src_s = src[order]
    dst_s = dst[order]
    ba_all = coords[dst_s] - coords[src_s]  # [E, 3]
    ba_all = ba_all / (jnp.linalg.norm(ba_all, axis=-1, keepdims=True) + 1e-08)
    idx = jnp.arange(E, dtype=src_s.dtype)

    def cond(state):
        d, _, _ = state
        return d < max_deg

    def body(state):
        d, s, c = state
        bc_shift = jnp.roll(ba_all, -d, axis=0)
        src_shift = jnp.roll(src_s, -d)
        valid = (idx < E - d) & (src_s == src_shift)
        cosine = jnp.clip(jnp.sum(ba_all * bc_shift, axis=-1), -0.999, 0.999)
        angle = jnp.arccos(cosine)
        sq = (angle - ANGLE_TARGET) ** 2
        s = s + jnp.sum(jnp.where(valid, sq, 0.0))
        c = c + jnp.sum(valid)
        return d + 1, s, c

    init = (jnp.asarray(1, dtype=counts.dtype), jnp.float32(0.0), jnp.asarray(0, dtype=jnp.int32))
    _, sq_sum, n_valid = lax.while_loop(cond, body, init)
    angle_loss = sq_sum / jnp.maximum(n_valid, 1).astype(sq_sum.dtype)
    return bond_loss + angle_loss


def reference(coords, edge_index):
    return _physics_loss(coords, edge_index)

if __name__ == "__main__":
    import jax
    _d = setup_inputs()
    print(jax.jit(kernel)(*tuple(_d.values())))

</pallas_src>

<mosaic_0001>
#map = affine_map<(d0, d1) -> (0)>
module attributes {stable_mosaic.version = 14 : i64} {
  func.func @_sc_body(%arg0: i32, %arg1: i32, %arg2: memref<10000xf32, #tpu.memory_space<hbm>>, %arg3: memref<10000xf32, #tpu.memory_space<hbm>>, %arg4: memref<10000xf32, #tpu.memory_space<hbm>>, %arg5: memref<163840xi32, #tpu.memory_space<hbm>>, %arg6: memref<163840xi32, #tpu.memory_space<hbm>>, %arg7: memref<163840xf32, #tpu.memory_space<hbm>>, %arg8: memref<163840xf32, #tpu.memory_space<hbm>>, %arg9: memref<163840xf32, #tpu.memory_space<hbm>>, %arg10: memref<10000xf32, #tpu.memory_space<vmem>>, %arg11: memref<10000xf32, #tpu.memory_space<vmem>>, %arg12: memref<10000xf32, #tpu.memory_space<vmem>>, %arg13: memref<5120xi32, #tpu.memory_space<vmem>>, %arg14: memref<5120xi32, #tpu.memory_space<vmem>>, %arg15: memref<5120xf32, #tpu.memory_space<vmem>>, %arg16: memref<5120xf32, #tpu.memory_space<vmem>>, %arg17: memref<5120xf32, #tpu.memory_space<vmem>>) attributes {dimension_semantics = [#tpu.dimension_semantics<core_parallel>, #tpu.dimension_semantics<subcore_parallel>], iteration_bounds = array<i64: 2, 16>, scalar_prefetch = 0 : i64, scratch_operands = 8 : i64, tpu.core_type = #tpu.core_type<sc_vector_subcore>, window_params = [{transform_indices = #map}, {transform_indices = #map}, {transform_indices = #map}, {transform_indices = #map}, {transform_indices = #map}, {transform_indices = #map}, {transform_indices = #map}, {transform_indices = #map}]} {
    %mul3A = arith.constant 2 : i32
    %mul3A_0 = arith.muli %arg1, %mul3A : i32
    %add3A = arith.addi %mul3A_0, %arg0 : i32
    %mul3A_1 = arith.constant 5120 : i32
    %mul3A_2 = arith.muli %add3A, %mul3A_1 : i32
    "tpu.region"() ({
      %run_scoped3A = tpu.sem_alloc : memref<!tpu.dma_semaphore, #tpu.memory_space<semaphore_mem>>
      %dma_start3A = arith.constant 0 : i32
      %dma_start3A_9 = tpu.memref_slice %arg2[%dma_start3A] : memref<10000xf32, #tpu.memory_space<hbm>> -> memref<10000xf32, #tpu.memory_space<hbm>>
      %dma_start3A_10 = arith.constant 0 : i32
      %dma_start3A_11 = tpu.memref_slice %arg2[%dma_start3A_10] : memref<10000xf32, #tpu.memory_space<hbm>> -> memref<10000xf32, #tpu.memory_space<hbm>>
      tpu.enqueue_dma source(%dma_start3A_11 : memref<10000xf32, #tpu.memory_space<hbm>>) target(%arg10 : memref<10000xf32, #tpu.memory_space<vmem>>) target_semaphore(%run_scoped3A : memref<!tpu.dma_semaphore, #tpu.memory_space<semaphore_mem>>)
      %dma_wait3A = arith.constant 0 : i32
      %dma_wait3A_12 = tpu.memref_slice %arg2[%dma_wait3A] : memref<10000xf32, #tpu.memory_space<hbm>> -> memref<10000xf32, #tpu.memory_space<hbm>>
      %dma_wait3A_13 = arith.constant 0 : i32
      %dma_wait3A_14 = tpu.memref_slice %arg2[%dma_wait3A_13] : memref<10000xf32, #tpu.memory_space<hbm>> -> memref<10000xf32, #tpu.memory_space<hbm>>
      tpu.wait_dma2 semaphore(%run_scoped3A : memref<!tpu.dma_semaphore, #tpu.memory_space<semaphore_mem>>) src(%dma_wait3A_14 : memref<10000xf32, #tpu.memory_space<hbm>>) dst(%arg10 : memref<10000xf32, #tpu.memory_space<vmem>>)
      tpu.yield
    }) : () -> ()
    "tpu.region"() ({
      %run_scoped3A = tpu.sem_alloc : memref<!tpu.dma_semaphore, #tpu.memory_space<semaphore_mem>>
      %dma_start3A = arith.constant 0 : i32
      %dma_start3A_9 = tpu.memref_slice %arg3[%dma_start3A] : memref<10000xf32, #tpu.memory_space<hbm>> -> memref<10000xf32, #tpu.memory_space<hbm>>
      %dma_start3A_10 = arith.constant 0 : i32
      %dma_start3A_11 = tpu.memref_slice %arg3[%dma_start3A_10] : memref<10000xf32, #tpu.memory_space<hbm>> -> memref<10000xf32, #tpu.memory_space<hbm>>
      tpu.enqueue_dma source(%dma_start3A_11 : memref<10000xf32, #tpu.memory_space<hbm>>) target(%arg11 : memref<10000xf32, #tpu.memory_space<vmem>>) target_semaphore(%run_scoped3A : memref<!tpu.dma_semaphore, #tpu.memory_space<semaphore_mem>>)
      %dma_wait3A = arith.constant 0 : i32
      %dma_wait3A_12 = tpu.memref_slice %arg3[%dma_wait3A] : memref<10000xf32, #tpu.memory_space<hbm>> -> memref<10000xf32, #tpu.memory_space<hbm>>
      %dma_wait3A_13 = arith.constant 0 : i32
      %dma_wait3A_14 = tpu.memref_slice %arg3[%dma_wait3A_13] : memref<10000xf32, #tpu.memory_space<hbm>> -> memref<10000xf32, #tpu.memory_space<hbm>>
      tpu.wait_dma2 semaphore(%run_scoped3A : memref<!tpu.dma_semaphore, #tpu.memory_space<semaphore_mem>>) src(%dma_wait3A_14 : memref<10000xf32, #tpu.memory_space<hbm>>) dst(%arg11 : memref<10000xf32, #tpu.memory_space<vmem>>)
      tpu.yield
    }) : () -> ()
    "tpu.region"() ({
      %run_scoped3A = tpu.sem_alloc : memref<!tpu.dma_semaphore, #tpu.memory_space<semaphore_mem>>
      %dma_start3A = arith.constant 0 : i32
      %dma_start3A_9 = tpu.memref_slice %arg4[%dma_start3A] : memref<10000xf32, #tpu.memory_space<hbm>> -> memref<10000xf32, #tpu.memory_space<hbm>>
      %dma_start3A_10 = arith.constant 0 : i32
      %dma_start3A_11 = tpu.memref_slice %arg4[%dma_start3A_10] : memref<10000xf32, #tpu.memory_space<hbm>> -> memref<10000xf32, #tpu.memory_space<hbm>>
      tpu.enqueue_dma source(%dma_start3A_11 : memref<10000xf32, #tpu.memory_space<hbm>>) target(%arg12 : memref<10000xf32, #tpu.memory_space<vmem>>) target_semaphore(%run_scoped3A : memref<!tpu.dma_semaphore, #tpu.memory_space<semaphore_mem>>)
      %dma_wait3A = arith.constant 0 : i32
      %dma_wait3A_12 = tpu.memref_slice %arg4[%dma_wait3A] : memref<10000xf32, #tpu.memory_space<hbm>> -> memref<10000xf32, #tpu.memory_space<hbm>>
      %dma_wait3A_13 = arith.constant 0 : i32
      %dma_wait3A_14 = tpu.memref_slice %arg4[%dma_wait3A_13] : memref<10000xf32, #tpu.memory_space<hbm>> -> memref<10000xf32, #tpu.memory_space<hbm>>
      tpu.wait_dma2 semaphore(%run_scoped3A : memref<!tpu.dma_semaphore, #tpu.memory_space<semaphore_mem>>) src(%dma_wait3A_14 : memref<10000xf32, #tpu.memory_space<hbm>>) dst(%arg12 : memref<10000xf32, #tpu.memory_space<vmem>>)
      tpu.yield
    }) : () -> ()
    "tpu.region"() ({
      %run_scoped3A = tpu.sem_alloc : memref<!tpu.dma_semaphore, #tpu.memory_space<semaphore_mem>>
      %dma_start3A = tpu.memref_slice %arg5[%mul3A_2] : memref<163840xi32, #tpu.memory_space<hbm>> -> memref<5120xi32, #tpu.memory_space<hbm>>
      %dma_start3A_9 = tpu.memref_slice %arg5[%mul3A_2] : memref<163840xi32, #tpu.memory_space<hbm>> -> memref<5120xi32, #tpu.memory_space<hbm>>
      tpu.enqueue_dma source(%dma_start3A_9 : memref<5120xi32, #tpu.memory_space<hbm>>) target(%arg13 : memref<5120xi32, #tpu.memory_space<vmem>>) target_semaphore(%run_scoped3A : memref<!tpu.dma_semaphore, #tpu.memory_space<semaphore_mem>>)
      %dma_wait3A = tpu.memref_slice %arg5[%mul3A_2] : memref<163840xi32, #tpu.memory_space<hbm>> -> memref<5120xi32, #tpu.memory_space<hbm>>
      %dma_wait3A_10 = tpu.memref_slice %arg5[%mul3A_2] : memref<163840xi32, #tpu.memory_space<hbm>> -> memref<5120xi32, #tpu.memory_space<hbm>>
      tpu.wait_dma2 semaphore(%run_scoped3A : memref<!tpu.dma_semaphore, #tpu.memory_space<semaphore_mem>>) src(%dma_wait3A_10 : memref<5120xi32, #tpu.memory_space<hbm>>) dst(%arg13 : memref<5120xi32, #tpu.memory_space<vmem>>)
      tpu.yield
    }) : () -> ()
    "tpu.region"() ({
      %run_scoped3A = tpu.sem_alloc : memref<!tpu.dma_semaphore, #tpu.memory_space<semaphore_mem>>
      %dma_start3A = tpu.memref_slice %arg6[%mul3A_2] : memref<163840xi32, #tpu.memory_space<hbm>> -> memref<5120xi32, #tpu.memory_space<hbm>>
      %dma_start3A_9 = tpu.memref_slice %arg6[%mul3A_2] : memref<163840xi32, #tpu.memory_space<hbm>> -> memref<5120xi32, #tpu.memory_space<hbm>>
      tpu.enqueue_dma source(%dma_start3A_9 : memref<5120xi32, #tpu.memory_space<hbm>>) target(%arg14 : memref<5120xi32, #tpu.memory_space<vmem>>) target_semaphore(%run_scoped3A : memref<!tpu.dma_semaphore, #tpu.memory_space<semaphore_mem>>)
      %dma_wait3A = tpu.memref_slice %arg6[%mul3A_2] : memref<163840xi32, #tpu.memory_space<hbm>> -> memref<5120xi32, #tpu.memory_space<hbm>>
      %dma_wait3A_10 = tpu.memref_slice %arg6[%mul3A_2] : memref<163840xi32, #tpu.memory_space<hbm>> -> memref<5120xi32, #tpu.memory_space<hbm>>
      tpu.wait_dma2 semaphore(%run_scoped3A : memref<!tpu.dma_semaphore, #tpu.memory_space<semaphore_mem>>) src(%dma_wait3A_10 : memref<5120xi32, #tpu.memory_space<hbm>>) dst(%arg14 : memref<5120xi32, #tpu.memory_space<vmem>>)
      tpu.yield
    }) : () -> ()
    %scan3A = arith.constant 0 : i32
    %scan3A_3 = arith.constant 0 : i32
    %scan3A_4 = arith.constant 320 : i32
    %scan3A_5 = arith.addi %scan3A_3, %scan3A_4 : i32
    %scan3A_6 = arith.constant 1 : i32
    %scan3A_7 = scf.for %scan3A_9 = %scan3A_3 to %scan3A_5 step %scan3A_6 iter_args(%scan3A_10 = %scan3A) -> (i32)  : i32 {
      %mul3A_11 = arith.constant 16 : i32
      %mul3A_12 = arith.muli %scan3A_9, %mul3A_11 : i32
      %get3A = arith.index_cast %mul3A_12 : i32 to index
      %get3A_13 = tpu.vector_load %arg13[%get3A] {strides = array<i32>} : memref<5120xi32, #tpu.memory_space<vmem>>, vector<16xi32>,
      %get3A_14 = arith.index_cast %mul3A_12 : i32 to index
      %get3A_15 = tpu.vector_load %arg14[%get3A_14] {strides = array<i32>} : memref<5120xi32, #tpu.memory_space<vmem>>, vector<16xi32>,
      %gather3A = tpu.vector_load_idx %arg10[%get3A_15] : memref<10000xf32, #tpu.memory_space<vmem>>[vector<16xi32>], vector<16xf32>,
      %gather3A_16 = tpu.vector_load_idx %arg10[%get3A_13] : memref<10000xf32, #tpu.memory_space<vmem>>[vector<16xi32>], vector<16xf32>,
      %sub3A = arith.subf %gather3A, %gather3A_16 : vector<16xf32>
      %swap3A = arith.index_cast %mul3A_12 : i32 to index
      %swap3A_17 = tpu.vector_load %arg15[%swap3A] {strides = array<i32>} : memref<5120xf32, #tpu.memory_space<vmem>>, vector<16xf32>,
      tpu.vector_store %arg15[%swap3A], %sub3A {strides = array<i32>} : memref<5120xf32, #tpu.memory_space<vmem>>, vector<16xf32>,
      %gather3A_18 = tpu.vector_load_idx %arg11[%get3A_15] : memref<10000xf32, #tpu.memory_space<vmem>>[vector<16xi32>], vector<16xf32>,
      %gather3A_19 = tpu.vector_load_idx %arg11[%get3A_13] : memref<10000xf32, #tpu.memory_space<vmem>>[vector<16xi32>], vector<16xf32>,
      %sub3A_20 = arith.subf %gather3A_18, %gather3A_19 : vector<16xf32>
      %swap3A_21 = arith.index_cast %mul3A_12 : i32 to index
      %swap3A_22 = tpu.vector_load %arg16[%swap3A_21] {strides = array<i32>} : memref<5120xf32, #tpu.memory_space<vmem>>, vector<16xf32>,
      tpu.vector_store %arg16[%swap3A_21], %sub3A_20 {strides = array<i32>} : memref<5120xf32, #tpu.memory_space<vmem>>, vector<16xf32>,
      %gather3A_23 = tpu.vector_load_idx %arg12[%get3A_15] : memref<10000xf32, #tpu.memory_space<vmem>>[vector<16xi32>], vector<16xf32>,
      %gather3A_24 = tpu.vector_load_idx %arg12[%get3A_13] : memref<10000xf32, #tpu.memory_space<vmem>>[vector<16xi32>], vector<16xf32>,
      %sub3A_25 = arith.subf %gather3A_23, %gather3A_24 : vector<16xf32>
      %swap3A_26 = arith.index_cast %mul3A_12 : i32 to index
      %swap3A_27 = tpu.vector_load %arg17[%swap3A_26] {strides = array<i32>} : memref<5120xf32, #tpu.memory_space<vmem>>, vector<16xf32>,
      tpu.vector_store %arg17[%swap3A_26], %sub3A_25 {strides = array<i32>} : memref<5120xf32, #tpu.memory_space<vmem>>, vector<16xf32>,
      %scan3A_28 = arith.constant 0 : i32
      scf.yield %scan3A_28 : i32
    }
    %scan3A_8 = arith.constant 320 : i32
    "tpu.region"() ({
      %run_scoped3A = tpu.sem_alloc : memref<!tpu.dma_semaphore, #tpu.memory_space<semaphore_mem>>
      %dma_start3A = tpu.memref_slice %arg7[%mul3A_2] : memref<163840xf32, #tpu.memory_space<hbm>> -> memref<5120xf32, #tpu.memory_space<hbm>>
      %dma_start3A_9 = tpu.memref_slice %arg7[%mul3A_2] : memref<163840xf32, #tpu.memory_space<hbm>> -> memref<5120xf32, #tpu.memory_space<hbm>>
      tpu.enqueue_dma source(%arg15 : memref<5120xf32, #tpu.memory_space<vmem>>) target(%dma_start3A_9 : memref<5120xf32, #tpu.memory_space<hbm>>) target_semaphore(%run_scoped3A : memref<!tpu.dma_semaphore, #tpu.memory_space<semaphore_mem>>)
      %dma_wait3A = tpu.memref_slice %arg7[%mul3A_2] : memref<163840xf32, #tpu.memory_space<hbm>> -> memref<5120xf32, #tpu.memory_space<hbm>>
      %dma_wait3A_10 = tpu.memref_slice %arg7[%mul3A_2] : memref<163840xf32, #tpu.memory_space<hbm>> -> memref<5120xf32, #tpu.memory_space<hbm>>
      tpu.wait_dma2 semaphore(%run_scoped3A : memref<!tpu.dma_semaphore, #tpu.memory_space<semaphore_mem>>) src(%arg15 : memref<5120xf32, #tpu.memory_space<vmem>>) dst(%dma_wait3A_10 : memref<5120xf32, #tpu.memory_space<hbm>>)
      tpu.yield
    }) : () -> ()
    "tpu.region"() ({
      %run_scoped3A = tpu.sem_alloc : memref<!tpu.dma_semaphore, #tpu.memory_space<semaphore_mem>>
      %dma_start3A = tpu.memref_slice %arg8[%mul3A_2] : memref<163840xf32, #tpu.memory_space<hbm>> -> memref<5120xf32, #tpu.memory_space<hbm>>
      %dma_start3A_9 = tpu.memref_slice %arg8[%mul3A_2] : memref<163840xf32, #tpu.memory_space<hbm>> -> memref<5120xf32, #tpu.memory_space<hbm>>
      tpu.enqueue_dma source(%arg16 : memref<5120xf32, #tpu.memory_space<vmem>>) target(%dma_start3A_9 : memref<5120xf32, #tpu.memory_space<hbm>>) target_semaphore(%run_scoped3A : memref<!tpu.dma_semaphore, #tpu.memory_space<semaphore_mem>>)
      %dma_wait3A = tpu.memref_slice %arg8[%mul3A_2] : memref<163840xf32, #tpu.memory_space<hbm>> -> memref<5120xf32, #tpu.memory_space<hbm>>
      %dma_wait3A_10 = tpu.memref_slice %arg8[%mul3A_2] : memref<163840xf32, #tpu.memory_space<hbm>> -> memref<5120xf32, #tpu.memory_space<hbm>>
      tpu.wait_dma2 semaphore(%run_scoped3A : memref<!tpu.dma_semaphore, #tpu.memory_space<semaphore_mem>>) src(%arg16 : memref<5120xf32, #tpu.memory_space<vmem>>) dst(%dma_wait3A_10 : memref<5120xf32, #tpu.memory_space<hbm>>)
      tpu.yield
    }) : () -> ()
    "tpu.region"() ({
      %run_scoped3A = tpu.sem_alloc : memref<!tpu.dma_semaphore, #tpu.memory_space<semaphore_mem>>
      %dma_start3A = tpu.memref_slice %arg9[%mul3A_2] : memref<163840xf32, #tpu.memory_space<hbm>> -> memref<5120xf32, #tpu.memory_space<hbm>>
      %dma_start3A_9 = tpu.memref_slice %arg9[%mul3A_2] : memref<163840xf32, #tpu.memory_space<hbm>> -> memref<5120xf32, #tpu.memory_space<hbm>>
      tpu.enqueue_dma source(%arg17 : memref<5120xf32, #tpu.memory_space<vmem>>) target(%dma_start3A_9 : memref<5120xf32, #tpu.memory_space<hbm>>) target_semaphore(%run_scoped3A : memref<!tpu.dma_semaphore, #tpu.memory_space<semaphore_mem>>)
      %dma_wait3A = tpu.memref_slice %arg9[%mul3A_2] : memref<163840xf32, #tpu.memory_space<hbm>> -> memref<5120xf32, #tpu.memory_space<hbm>>
      %dma_wait3A_10 = tpu.memref_slice %arg9[%mul3A_2] : memref<163840xf32, #tpu.memory_space<hbm>> -> memref<5120xf32, #tpu.memory_space<hbm>>
      tpu.wait_dma2 semaphore(%run_scoped3A : memref<!tpu.dma_semaphore, #tpu.memory_space<semaphore_mem>>) src(%arg17 : memref<5120xf32, #tpu.memory_space<vmem>>) dst(%dma_wait3A_10 : memref<5120xf32, #tpu.memory_space<hbm>>)
      tpu.yield
    }) : () -> ()
    return
  }
}

module attributes {stable_mosaic.version = 14 : i64} {
  func.func @_tc_body(%arg0: memref<160x1024xi32, #tpu.memory_space<vmem>>, %arg1: memref<160x1024xf32, #tpu.memory_space<vmem>>, %arg2: memref<160x1024xf32, #tpu.memory_space<vmem>>, %arg3: memref<160x1024xf32, #tpu.memory_space<vmem>>, %arg4: memref<1x1xf32, #tpu.memory_space<vmem>>) attributes {dimension_semantics = [], scalar_prefetch = 0 : i64, scratch_operands = 0 : i64, tpu.core_type = #tpu.core_type<tc>} {
    %get3A = arith.constant 0 : index
    %get3A_0 = arith.constant 0 : index
    %get3A_1 = vector.load %arg0[%get3A, %get3A_0] : memref<160x1024xi32, #tpu.memory_space<vmem>>, vector<160x1024xi32>
    %get3A_2 = arith.constant 0 : index
    %get3A_3 = arith.constant 0 : index
    %get3A_4 = vector.load %arg1[%get3A_2, %get3A_3] : memref<160x1024xf32, #tpu.memory_space<vmem>>, vector<160x1024xf32>
    %get3A_5 = arith.constant 0 : index
    %get3A_6 = arith.constant 0 : index
    %get3A_7 = vector.load %arg2[%get3A_5, %get3A_6] : memref<160x1024xf32, #tpu.memory_space<vmem>>, vector<160x1024xf32>
    %get3A_8 = arith.constant 0 : index
    %get3A_9 = arith.constant 0 : index
    %get3A_10 = vector.load %arg3[%get3A_8, %get3A_9] : memref<160x1024xf32, #tpu.memory_space<vmem>>, vector<160x1024xf32>
    %iota3A = tpu.iota {dimensions = array<i32: 0>} : vector<160x1024xi32>
    %mul3A = arith.constant 1024 : i32
    %mul3A_11 = vector.broadcast %mul3A : i32 to vector<160x1024xi32>
    %mul3A_12 = arith.muli %iota3A, %mul3A_11 : vector<160x1024xi32>
    %iota3A_13 = tpu.iota {dimensions = array<i32: 1>} : vector<160x1024xi32>
    %add3A = arith.addi %mul3A_12, %iota3A_13 : vector<160x1024xi32>
    %mul3A_14 = arith.mulf %get3A_4, %get3A_4 : vector<160x1024xf32>
    %mul3A_15 = arith.mulf %get3A_7, %get3A_7 : vector<160x1024xf32>
    %add3A_16 = arith.addf %mul3A_14, %mul3A_15 : vector<160x1024xf32>
    %mul3A_17 = arith.mulf %get3A_10, %get3A_10 : vector<160x1024xf32>
    %add3A_18 = arith.addf %add3A_16, %mul3A_17 : vector<160x1024xf32>
    %add3A_19 = arith.constant 9.99999993E-9 : f32
    %add3A_20 = vector.broadcast %add3A_19 : f32 to vector<160x1024xf32>
    %add3A_21 = arith.addf %add3A_18, %add3A_20 : vector<160x1024xf32>
    %sqrt3A = math.sqrt %add3A_21 : vector<160x1024xf32>
    %sub3A = arith.constant 1.500000e+00 : f32
    %sub3A_22 = vector.broadcast %sub3A : f32 to vector<160x1024xf32>
    %sub3A_23 = arith.subf %sqrt3A, %sub3A_22 : vector<160x1024xf32>
    %lt3A = arith.constant 160000 : i32
    %lt3A_24 = vector.broadcast %lt3A : i32 to vector<160x1024xi32>
    %lt3A_25 = arith.cmpi slt, %add3A, %lt3A_24 : vector<160x1024xi32>
    %mul3A_26 = arith.mulf %sub3A_23, %sub3A_23 : vector<160x1024xf32>
    %jit3A = arith.constant 0.000000e+00 : f32
    %broadcast_in_dim3A = vector.broadcast %jit3A : f32 to vector<160x1024xf32>
    %select_n3A = arith.select %lt3A_25, %mul3A_26, %broadcast_in_dim3A : vector<160x1024xi1>, vector<160x1024xf32>
    %reduce_sum3A = vector.shape_cast %select_n3A : vector<160x1024xf32> to vector<1x160x1024xf32>
    %reduce_sum3A_27 = arith.constant dense<0.000000e+00> : vector<1xf32>
    %reduce_sum3A_28 = vector.multi_reduction <add>, %reduce_sum3A, %reduce_sum3A_27 [1, 2] : vector<1x160x1024xf32> to vector<1xf32>
    %reduce_sum3A_29 = vector.shape_cast %reduce_sum3A_28 : vector<1xf32> to vector<1x1x1xf32>
    %reduce_sum3A_30 = vector.extract %reduce_sum3A_29[0, 0, 0] : f32 from vector<1x1x1xf32>
    %sqrt3A_31 = math.sqrt %add3A_18 : vector<160x1024xf32>
    %add3A_32 = arith.constant 9.99999993E-9 : f32
    %add3A_33 = vector.broadcast %add3A_32 : f32 to vector<160x1024xf32>
    %add3A_34 = arith.addf %sqrt3A_31, %add3A_33 : vector<160x1024xf32>
    %div3A = arith.constant 1.000000e+00 : f32
    %div3A_35 = vector.broadcast %div3A : f32 to vector<160x1024xf32>
    %div3A_36 = arith.divf %div3A_35, %add3A_34 : vector<160x1024xf32>
    %mul3A_37 = arith.mulf %get3A_4, %div3A_36 : vector<160x1024xf32>
    %mul3A_38 = arith.mulf %get3A_7, %div3A_36 : vector<160x1024xf32>
    %mul3A_39 = arith.mulf %get3A_10, %div3A_36 : vector<160x1024xf32>
    %while3A = arith.constant 1 : i32
    %while3A_40 = arith.constant 1 : i32
    %while3A_41 = arith.constant 0.000000e+00 : f32
    %while3A_42 = arith.constant 0 : i32
    %while3A_43:8 = scf.while (%while3A_52 = %while3A, %while3A_53 = %while3A_40, %while3A_54 = %get3A_1, %while3A_55 = %mul3A_37, %while3A_56 = %mul3A_38, %while3A_57 = %mul3A_39, %while3A_58 = %while3A_41, %while3A_59 = %while3A_42) : (i32, i32, vector<160x1024xi32>, vector<160x1024xf32>, vector<160x1024xf32>, vector<160x1024xf32>, f32, i32) -> (i32, i32, vector<160x1024xi32>, vector<160x1024xf32>, vector<160x1024xf32>, vector<160x1024xf32>, f32, i32) {
      %gt3A = arith.constant 0 : i32
      %gt3A_60 = arith.cmpi sgt, %while3A_53, %gt3A : i32
      scf.condition(%gt3A_60) %while3A_52, %while3A_53, %while3A_54, %while3A_55, %while3A_56, %while3A_57, %while3A_58, %while3A_59 : i32, i32, vector<160x1024xi32>, vector<160x1024xf32>, vector<160x1024xf32>, vector<160x1024xf32>, f32, i32
    } do {
    ^bb0(%while3A_52: i32, %while3A_53: i32, %while3A_54: vector<160x1024xi32>, %while3A_55: vector<160x1024xf32>, %while3A_56: vector<160x1024xf32>, %while3A_57: vector<160x1024xf32>, %while3A_58: f32, %while3A_59: i32):
      %slice3A = vector.extract_strided_slice %while3A_54 {offsets = [0, 1], sizes = [160, 1023], strides = [1, 1]} : vector<160x1024xi32> to vector<160x1023xi32>
      %slice3A_60 = vector.extract_strided_slice %while3A_54 {offsets = [0, 0], sizes = [160, 1], strides = [1, 1]} : vector<160x1024xi32> to vector<160x1xi32>
      %slice3A_61 = vector.extract_strided_slice %slice3A_60 {offsets = [1, 0], sizes = [159, 1], strides = [1, 1]} : vector<160x1xi32> to vector<159x1xi32>
      %slice3A_62 = vector.extract_strided_slice %slice3A_60 {offsets = [0, 0], sizes = [1, 1], strides = [1, 1]} : vector<160x1xi32> to vector<1x1xi32>
      %concatenate3A = tpu.concatenate %slice3A_61, %slice3A_62 in 0 : vector<159x1xi32>, vector<1x1xi32> -> vector<160x1xi32>
      %concatenate3A_63 = tpu.concatenate %slice3A, %concatenate3A in 1 : vector<160x1023xi32>, vector<160x1xi32> -> vector<160x1024xi32>
      %slice3A_64 = vector.extract_strided_slice %while3A_55 {offsets = [0, 1], sizes = [160, 1023], strides = [1, 1]} : vector<160x1024xf32> to vector<160x1023xf32>
      %slice3A_65 = vector.extract_strided_slice %while3A_55 {offsets = [0, 0], sizes = [160, 1], strides = [1, 1]} : vector<160x1024xf32> to vector<160x1xf32>
      %slice3A_66 = vector.extract_strided_slice %slice3A_65 {offsets = [1, 0], sizes = [159, 1], strides = [1, 1]} : vector<160x1xf32> to vector<159x1xf32>
      %slice3A_67 = vector.extract_strided_slice %slice3A_65 {offsets = [0, 0], sizes = [1, 1], strides = [1, 1]} : vector<160x1xf32> to vector<1x1xf32>
      %concatenate3A_68 = tpu.concatenate %slice3A_66, %slice3A_67 in 0 : vector<159x1xf32>, vector<1x1xf32> -> vector<160x1xf32>
      %concatenate3A_69 = tpu.concatenate %slice3A_64, %concatenate3A_68 in 1 : vector<160x1023xf32>, vector<160x1xf32> -> vector<160x1024xf32>
      %slice3A_70 = vector.extract_strided_slice %while3A_56 {offsets = [0, 1], sizes = [160, 1023], strides = [1, 1]} : vector<160x1024xf32> to vector<160x1023xf32>
      %slice3A_71 = vector.extract_strided_slice %while3A_56 {offsets = [0, 0], sizes = [160, 1], strides = [1, 1]} : vector<160x1024xf32> to vector<160x1xf32>
      %slice3A_72 = vector.extract_strided_slice %slice3A_71 {offsets = [1, 0], sizes = [159, 1], strides = [1, 1]} : vector<160x1xf32> to vector<159x1xf32>
      %slice3A_73 = vector.extract_strided_slice %slice3A_71 {offsets = [0, 0], sizes = [1, 1], strides = [1, 1]} : vector<160x1xf32> to vector<1x1xf32>
      %concatenate3A_74 = tpu.concatenate %slice3A_72, %slice3A_73 in 0 : vector<159x1xf32>, vector<1x1xf32> -> vector<160x1xf32>
      %concatenate3A_75 = tpu.concatenate %slice3A_70, %concatenate3A_74 in 1 : vector<160x1023xf32>, vector<160x1xf32> -> vector<160x1024xf32>
      %slice3A_76 = vector.extract_strided_slice %while3A_57 {offsets = [0, 1], sizes = [160, 1023], strides = [1, 1]} : vector<160x1024xf32> to vector<160x1023xf32>
      %slice3A_77 = vector.extract_strided_slice %while3A_57 {offsets = [0, 0], sizes = [160, 1], strides = [1, 1]} : vector<160x1024xf32> to vector<160x1xf32>
      %slice3A_78 = vector.extract_strided_slice %slice3A_77 {offsets = [1, 0], sizes = [159, 1], strides = [1, 1]} : vector<160x1xf32> to vector<159x1xf32>
      %slice3A_79 = vector.extract_strided_slice %slice3A_77 {offsets = [0, 0], sizes = [1, 1], strides = [1, 1]} : vector<160x1xf32> to vector<1x1xf32>
      %concatenate3A_80 = tpu.concatenate %slice3A_78, %slice3A_79 in 0 : vector<159x1xf32>, vector<1x1xf32> -> vector<160x1xf32>
      %concatenate3A_81 = tpu.concatenate %slice3A_76, %concatenate3A_80 in 1 : vector<160x1023xf32>, vector<160x1xf32> -> vector<160x1024xf32>
      %eq3A = arith.cmpi eq, %get3A_1, %concatenate3A_63 : vector<160x1024xi32>
      %mul3A_82 = arith.mulf %mul3A_37, %concatenate3A_69 : vector<160x1024xf32>
      %mul3A_83 = arith.mulf %mul3A_38, %concatenate3A_75 : vector<160x1024xf32>
      %add3A_84 = arith.addf %mul3A_82, %mul3A_83 : vector<160x1024xf32>
      %mul3A_85 = arith.mulf %mul3A_39, %concatenate3A_81 : vector<160x1024xf32>
      %add3A_86 = arith.addf %add3A_84, %mul3A_85 : vector<160x1024xf32>
      %jit3A_87 = arith.constant -9.990000e-01 : f32
      %jit3A_88 = arith.constant 9.990000e-01 : f32
      %max3A_89 = vector.broadcast %jit3A_87 : f32 to vector<160x1024xf32>
      %max3A_90 = arith.maximumf %max3A_89, %add3A_86 : vector<160x1024xf32>
      %min3A = vector.broadcast %jit3A_88 : f32 to vector<160x1024xf32>
      %min3A_91 = arith.minimumf %min3A, %max3A_90 : vector<160x1024xf32>
      %abs3A = math.absf %min3A_91 : vector<160x1024xf32>
      %mul3A_92 = arith.constant -1.872930e-02 : f32
      %mul3A_93 = vector.broadcast %mul3A_92 : f32 to vector<160x1024xf32>
      %mul3A_94 = arith.mulf %mul3A_93, %abs3A : vector<160x1024xf32>
      %add3A_95 = arith.constant 7.426100e-02 : f32
      %add3A_96 = vector.broadcast %add3A_95 : f32 to vector<160x1024xf32>
      %add3A_97 = arith.addf %mul3A_94, %add3A_96 : vector<160x1024xf32>
      %mul3A_98 = arith.mulf %add3A_97, %abs3A : vector<160x1024xf32>
      %add3A_99 = arith.constant -0.212114394 : f32
      %add3A_100 = vector.broadcast %add3A_99 : f32 to vector<160x1024xf32>
      %add3A_101 = arith.addf %mul3A_98, %add3A_100 : vector<160x1024xf32>
      %mul3A_102 = arith.mulf %add3A_101, %abs3A : vector<160x1024xf32>
      %add3A_103 = arith.constant 1.57072878 : f32
      %add3A_104 = vector.broadcast %add3A_103 : f32 to vector<160x1024xf32>
      %add3A_105 = arith.addf %mul3A_102, %add3A_104 : vector<160x1024xf32>
      %sub3A_106 = arith.constant 1.000000e+00 : f32
      %sub3A_107 = vector.broadcast %sub3A_106 : f32 to vector<160x1024xf32>
      %sub3A_108 = arith.subf %sub3A_107, %abs3A : vector<160x1024xf32>
      %sqrt3A_109 = math.sqrt %sub3A_108 : vector<160x1024xf32>
      %mul3A_110 = arith.mulf %sqrt3A_109, %add3A_105 : vector<160x1024xf32>
      %lt3A_111 = arith.constant 0.000000e+00 : f32
      %lt3A_112 = vector.broadcast %lt3A_111 : f32 to vector<160x1024xf32>
      %lt3A_113 = arith.cmpf olt, %min3A_91, %lt3A_112 : vector<160x1024xf32>
      %sub3A_114 = arith.constant 3.14159274 : f32
      %sub3A_115 = vector.broadcast %sub3A_114 : f32 to vector<160x1024xf32>
      %sub3A_116 = arith.subf %sub3A_115, %mul3A_110 : vector<160x1024xf32>
      %select_n3A_117 = arith.select %lt3A_113, %sub3A_116, %mul3A_110 : vector<160x1024xi1>, vector<160x1024xf32>
      %sub3A_118 = arith.constant 1.91113555 : f32
      %sub3A_119 = vector.broadcast %sub3A_118 : f32 to vector<160x1024xf32>
      %sub3A_120 = arith.subf %select_n3A_117, %sub3A_119 : vector<160x1024xf32>
      %mul3A_121 = arith.mulf %sub3A_120, %sub3A_120 : vector<160x1024xf32>
      %jit3A_122 = arith.constant 0.000000e+00 : f32
      %broadcast_in_dim3A_123 = vector.broadcast %jit3A_122 : f32 to vector<160x1024xf32>
      %select_n3A_124 = arith.select %eq3A, %mul3A_121, %broadcast_in_dim3A_123 : vector<160x1024xi1>, vector<160x1024xf32>
      %reduce_sum3A_125 = vector.shape_cast %select_n3A_124 : vector<160x1024xf32> to vector<1x160x1024xf32>
      %reduce_sum3A_126 = arith.constant dense<0.000000e+00> : vector<1xf32>
      %reduce_sum3A_127 = vector.multi_reduction <add>, %reduce_sum3A_125, %reduce_sum3A_126 [1, 2] : vector<1x160x1024xf32> to vector<1xf32>
      %reduce_sum3A_128 = vector.shape_cast %reduce_sum3A_127 : vector<1xf32> to vector<1x1x1xf32>
      %reduce_sum3A_129 = vector.extract %reduce_sum3A_128[0, 0, 0] : f32 from vector<1x1x1xf32>
      %add3A_130 = arith.addf %while3A_58, %reduce_sum3A_129 : f32
      %convert_element_type3A_131 = arith.extui %eq3A : vector<160x1024xi1> to vector<160x1024xi32>
      %reduce_sum3A_132 = vector.shape_cast %convert_element_type3A_131 : vector<160x1024xi32> to vector<1x160x1024xi32>
      %reduce_sum3A_133 = arith.constant dense<0> : vector<1xi32>
      %reduce_sum3A_134 = vector.multi_reduction <add>, %reduce_sum3A_132, %reduce_sum3A_133 [1, 2] : vector<1x160x1024xi32> to vector<1xi32>
      %reduce_sum3A_135 = vector.shape_cast %reduce_sum3A_134 : vector<1xi32> to vector<1x1x1xi32>
      %reduce_sum3A_136 = vector.extract %reduce_sum3A_135[0, 0, 0] : i32 from vector<1x1x1xi32>
      %slice3A_137 = vector.extract_strided_slice %concatenate3A_63 {offsets = [0, 1], sizes = [160, 1023], strides = [1, 1]} : vector<160x1024xi32> to vector<160x1023xi32>
      %slice3A_138 = vector.extract_strided_slice %concatenate3A_63 {offsets = [0, 0], sizes = [160, 1], strides = [1, 1]} : vector<160x1024xi32> to vector<160x1xi32>
      %slice3A_139 = vector.extract_strided_slice %slice3A_138 {offsets = [1, 0], sizes = [159, 1], strides = [1, 1]} : vector<160x1xi32> to vector<159x1xi32>
      %slice3A_140 = vector.extract_strided_slice %slice3A_138 {offsets = [0, 0], sizes = [1, 1], strides = [1, 1]} : vector<160x1xi32> to vector<1x1xi32>
      %concatenate3A_141 = tpu.concatenate %slice3A_139, %slice3A_140 in 0 : vector<159x1xi32>, vector<1x1xi32> -> vector<160x1xi32>
      %concatenate3A_142 = tpu.concatenate %slice3A_137, %concatenate3A_141 in 1 : vector<160x1023xi32>, vector<160x1xi32> -> vector<160x1024xi32>
      %slice3A_143 = vector.extract_strided_slice %concatenate3A_69 {offsets = [0, 1], sizes = [160, 1023], strides = [1, 1]} : vector<160x1024xf32> to vector<160x1023xf32>
      %slice3A_144 = vector.extract_strided_slice %concatenate3A_69 {offsets = [0, 0], sizes = [160, 1], strides = [1, 1]} : vector<160x1024xf32> to vector<160x1xf32>
      %slice3A_145 = vector.extract_strided_slice %slice3A_144 {offsets = [1, 0], sizes = [159, 1], strides = [1, 1]} : vector<160x1xf32> to vector<159x1xf32>
      %slice3A_146 = vector.extract_strided_slice %slice3A_144 {offsets = [0, 0], sizes = [1, 1], strides = [1, 1]} : vector<160x1xf32> to vector<1x1xf32>
      %concatenate3A_147 = tpu.concatenate %slice3A_145, %slice3A_146 in 0 : vector<159x1xf32>, vector<1x1xf32> -> vector<160x1xf32>
      %concatenate3A_148 = tpu.concatenate %slice3A_143, %concatenate3A_147 in 1 : vector<160x1023xf32>, vector<160x1xf32> -> vector<160x1024xf32>
      %slice3A_149 = vector.extract_strided_slice %concatenate3A_75 {offsets = [0, 1], sizes = [160, 1023], strides = [1, 1]} : vector<160x1024xf32> to vector<160x1023xf32>
      %slice3A_150 = vector.extract_strided_slice %concatenate3A_75 {offsets = [0, 0], sizes = [160, 1], strides = [1, 1]} : vector<160x1024xf32> to vector<160x1xf32>
      %slice3A_151 = vector.extract_strided_slice %slice3A_150 {offsets = [1, 0], sizes = [159, 1], strides = [1, 1]} : vector<160x1xf32> to vector<159x1xf32>
      %slice3A_152 = vector.extract_strided_slice %slice3A_150 {offsets = [0, 0], sizes = [1, 1], strides = [1, 1]} : vector<160x1xf32> to vector<1x1xf32>
      %concatenate3A_153 = tpu.concatenate %slice3A_151, %slice3A_152 in 0 : vector<159x1xf32>, vector<1x1xf32> -> vector<160x1xf32>
      %concatenate3A_154 = tpu.concatenate %slice3A_149, %concatenate3A_153 in 1 : vector<160x1023xf32>, vector<160x1xf32> -> vector<160x1024xf32>
      %slice3A_155 = vector.extract_strided_slice %concatenate3A_81 {offsets = [0, 1], sizes = [160, 1023], strides = [1, 1]} : vector<160x1024xf32> to vector<160x1023xf32>
      %slice3A_156 = vector.extract_strided_slice %concatenate3A_81 {offsets = [0, 0], sizes = [160, 1], strides = [1, 1]} : vector<160x1024xf32> to vector<160x1xf32>
      %slice3A_157 = vector.extract_strided_slice %slice3A_156 {offsets = [1, 0], sizes = [159, 1], strides = [1, 1]} : vector<160x1xf32> to vector<159x1xf32>
      %slice3A_158 = vector.extract_strided_slice %slice3A_156 {offsets = [0, 0], sizes = [1, 1], strides = [1, 1]} : vector<160x1xf32> to vector<1x1xf32>
      %concatenate3A_159 = tpu.concatenate %slice3A_157, %slice3A_158 in 0 : vector<159x1xf32>, vector<1x1xf32> -> vector<160x1xf32>
      %concatenate3A_160 = tpu.concatenate %slice3A_155, %concatenate3A_159 in 1 : vector<160x1023xf32>, vector<160x1xf32> -> vector<160x1024xf32>
      %eq3A_161 = arith.cmpi eq, %get3A_1, %concatenate3A_142 : vector<160x1024xi32>
      %mul3A_162 = arith.mulf %mul3A_37, %concatenate3A_148 : vector<160x1024xf32>
      %mul3A_163 = arith.mulf %mul3A_38, %concatenate3A_154 : vector<160x1024xf32>
      %add3A_164 = arith.addf %mul3A_162, %mul3A_163 : vector<160x1024xf32>
      %mul3A_165 = arith.mulf %mul3A_39, %concatenate3A_160 : vector<160x1024xf32>
      %add3A_166 = arith.addf %add3A_164, %mul3A_165 : vector<160x1024xf32>
      %jit3A_167 = arith.constant -9.990000e-01 : f32
      %jit3A_168 = arith.constant 9.990000e-01 : f32
      %max3A_169 = vector.broadcast %jit3A_167 : f32 to vector<160x1024xf32>
      %max3A_170 = arith.maximumf %max3A_169, %add3A_166 : vector<160x1024xf32>
      %min3A_171 = vector.broadcast %jit3A_168 : f32 to vector<160x1024xf32>
      %min3A_172 = arith.minimumf %min3A_171, %max3A_170 : vector<160x1024xf32>
      %abs3A_173 = math.absf %min3A_172 : vector<160x1024xf32>
      %mul3A_174 = arith.constant -1.872930e-02 : f32
      %mul3A_175 = vector.broadcast %mul3A_174 : f32 to vector<160x1024xf32>
      %mul3A_176 = arith.mulf %mul3A_175, %abs3A_173 : vector<160x1024xf32>
      %add3A_177 = arith.constant 7.426100e-02 : f32
      %add3A_178 = vector.broadcast %add3A_177 : f32 to vector<160x1024xf32>
      %add3A_179 = arith.addf %mul3A_176, %add3A_178 : vector<160x1024xf32>
      %mul3A_180 = arith.mulf %add3A_179, %abs3A_173 : vector<160x1024xf32>
      %add3A_181 = arith.constant -0.212114394 : f32
      %add3A_182 = vector.broadcast %add3A_181 : f32 to vector<160x1024xf32>
      %add3A_183 = arith.addf %mul3A_180, %add3A_182 : vector<160x1024xf32>
      %mul3A_184 = arith.mulf %add3A_183, %abs3A_173 : vector<160x1024xf32>
      %add3A_185 = arith.constant 1.57072878 : f32
      %add3A_186 = vector.broadcast %add3A_185 : f32 to vector<160x1024xf32>
      %add3A_187 = arith.addf %mul3A_184, %add3A_186 : vector<160x1024xf32>
      %sub3A_188 = arith.constant 1.000000e+00 : f32
      %sub3A_189 = vector.broadcast %sub3A_188 : f32 to vector<160x1024xf32>
      %sub3A_190 = arith.subf %sub3A_189, %abs3A_173 : vector<160x1024xf32>
      %sqrt3A_191 = math.sqrt %sub3A_190 : vector<160x1024xf32>
      %mul3A_192 = arith.mulf %sqrt3A_191, %add3A_187 : vector<160x1024xf32>
      %lt3A_193 = arith.constant 0.000000e+00 : f32
      %lt3A_194 = vector.broadcast %lt3A_193 : f32 to vector<160x1024xf32>
      %lt3A_195 = arith.cmpf olt, %min3A_172, %lt3A_194 : vector<160x1024xf32>
      %sub3A_196 = arith.constant 3.14159274 : f32
      %sub3A_197 = vector.broadcast %sub3A_196 : f32 to vector<160x1024xf32>
      %sub3A_198 = arith.subf %sub3A_197, %mul3A_192 : vector<160x1024xf32>
      %select_n3A_199 = arith.select %lt3A_195, %sub3A_198, %mul3A_192 : vector<160x1024xi1>, vector<160x1024xf32>
      %sub3A_200 = arith.constant 1.91113555 : f32
      %sub3A_201 = vector.broadcast %sub3A_200 : f32 to vector<160x1024xf32>
      %sub3A_202 = arith.subf %select_n3A_199, %sub3A_201 : vector<160x1024xf32>
      %mul3A_203 = arith.mulf %sub3A_202, %sub3A_202 : vector<160x1024xf32>
      %jit3A_204 = arith.constant 0.000000e+00 : f32
      %broadcast_in_dim3A_205 = vector.broadcast %jit3A_204 : f32 to vector<160x1024xf32>
      %select_n3A_206 = arith.select %eq3A_161, %mul3A_203, %broadcast_in_dim3A_205 : vector<160x1024xi1>, vector<160x1024xf32>
      %reduce_sum3A_207 = vector.shape_cast %select_n3A_206 : vector<160x1024xf32> to vector<1x160x1024xf32>
      %reduce_sum3A_208 = arith.constant dense<0.000000e+00> : vector<1xf32>
      %reduce_sum3A_209 = vector.multi_reduction <add>, %reduce_sum3A_207, %reduce_sum3A_208 [1, 2] : vector<1x160x1024xf32> to vector<1xf32>
      %reduce_sum3A_210 = vector.shape_cast %reduce_sum3A_209 : vector<1xf32> to vector<1x1x1xf32>
      %reduce_sum3A_211 = vector.extract %reduce_sum3A_210[0, 0, 0] : f32 from vector<1x1x1xf32>
      %add3A_212 = arith.addf %add3A_130, %reduce_sum3A_211 : f32
      %convert_element_type3A_213 = arith.extui %eq3A_161 : vector<160x1024xi1> to vector<160x1024xi32>
      %reduce_sum3A_214 = vector.shape_cast %convert_element_type3A_213 : vector<160x1024xi32> to vector<1x160x1024xi32>
      %reduce_sum3A_215 = arith.constant dense<0> : vector<1xi32>
      %reduce_sum3A_216 = vector.multi_reduction <add>, %reduce_sum3A_214, %reduce_sum3A_215 [1, 2] : vector<1x160x1024xi32> to vector<1xi32>
      %reduce_sum3A_217 = vector.shape_cast %reduce_sum3A_216 : vector<1xi32> to vector<1x1x1xi32>
      %reduce_sum3A_218 = vector.extract %reduce_sum3A_217[0, 0, 0] : i32 from vector<1x1x1xi32>
      %add3A_219 = arith.constant 2 : i32
      %add3A_220 = arith.addi %while3A_52, %add3A_219 : i32
      %add3A_221 = arith.addi %reduce_sum3A_136, %reduce_sum3A_218 : i32
      %add3A_222 = arith.addi %while3A_59, %reduce_sum3A_136 : i32
      %add3A_223 = arith.addi %add3A_222, %reduce_sum3A_218 : i32
      scf.yield %add3A_220, %add3A_221, %concatenate3A_142, %concatenate3A_148, %concatenate3A_154, %concatenate3A_160, %add3A_212, %add3A_223 : i32, i32, vector<160x1024xi32>, vector<160x1024xf32>, vector<160x1024xf32>, vector<160x1024xf32>, f32, i32
    }
    %div3A_44 = arith.constant 1.600000e+05 : f32
    %div3A_45 = arith.divf %reduce_sum3A_30, %div3A_44 : f32
    %max3A = arith.constant 1 : i32
    %max3A_46 = arith.maxsi %while3A_43#7, %max3A : i32
    %convert_element_type3A = arith.sitofp %max3A_46 : i32 to f32
    %div3A_47 = arith.divf %while3A_43#6, %convert_element_type3A : f32
    %add3A_48 = arith.addf %div3A_45, %div3A_47 : f32
    %broadcast_in_dim3A_49 = vector.broadcast %add3A_48 : f32 to vector<1x1xf32>
    %swap3A = arith.constant 0 : index
    %swap3A_50 = arith.constant 0 : index
    %swap3A_51 = vector.load %arg4[%swap3A, %swap3A_50] : memref<1x1xf32, #tpu.memory_space<vmem>>, vector<1x1xf32>
    tpu.vector_store %arg4[%swap3A, %swap3A_50], %broadcast_in_dim3A_49 {strides = array<i32>} : memref<1x1xf32, #tpu.memory_space<vmem>>, vector<1x1xf32>,
    return
  }
}

</mosaic_0001>

<sc_bundles>
// kernel: kernel.4.cloned.1.call-start
scs
__scs_entry_jumppad:
0x0: {  	(pc) =	sbr.rel $0x88, $3  }
0x1: {  	(tag) =	ssettag $0x0;
	lr =	simm.s32 $0x1  }
0x2: {  	[smem:$0x3F9F] =	sst lr;
	_ =	strace $0xD0000000  }
0x3: {  	_ = 	snop  }
0x4: {  	_ = 	snop  }
0x5: {  	_ = 	snop  }
0x6: {  	_ = 	snop  }
0x7: {  	_ = 	snop  }
__scs_overlays_trampoline_lowered:
0x8: {  	[smem:$0x3FAE] =	sst s0  }
0x9: {  	[smem:$0x3FAF] =	sst s1  }
0xa: {  	[smem:$0x3FB0] =	sst s2  }
0xb: {  	[smem:$0x3FB1] =	sst s3  }
0xc: {  	[smem:$0x3FB2] =	sst s4  }
0xd: {  	[smem:$0x3FB3] =	sst s5  }
0xe: {  	[smem:$0x3FB4] =	sst s6  }
0xf: {  	[smem:$0x3FB5] =	sst s7  }
0x10: {  	[smem:$0x3FB6] =	sst s8  }
0x11: {  	[smem:$0x3FB7] =	sst s9;
	s0 =	simm.s32 @!p0 $0x0  }
0x12: {  	s1 =	sld [smem:$0x3F9D];
	s0 =	simm.s32 @p0 $0x1  }
0x13: {  	[smem:$0x3FB8] =	sst s0;
	s0 =	simm.s32 @!p1 $0x0  }
0x14: {  	s2 =	sld [smem:$0x3F9C];
	s0 =	simm.s32 @p1 $0x1  }
0x15: {  	[smem:$0x3FB9] =	sst s0;
	s0 =	simm.s32 @!p2 $0x0  }
0x16: {  	s3 =	sld [smem:$0x3FDB];
	s0 =	simm.s32 @p2 $0x1  }
0x17: {  	s4 =	simm.s32 $0x1BF5;
	[smem:$0x3FBB] =	sst s0  }
0x18: {  	s0 =	sld [smem:$0x3F9E];
	_ =	swait.ge [sflag:s4], $0x0  }
0x19: {  	s7 =	sld [smem:$0x3F9F]  }
0x1a: {  	s8 =	sadd.s32 $0xFFFFE003, lr  }
0x1b: {  	s9 =	sadd.s32 $0xFFFFFEF7, lr;
	s5 =	simm.s32 $0xFFFFFFFF;
	p2 =	slt.u32 s8, $0xFFFFF086  }
0x1c: {  	p1 =	slt.u32 s9, $0xF7A;
	s5 =	simm.s32 @!p2 $0x0  }
0x1d: {  	s5 =	simm.s32 @p1 $0x1;
	p0 =	seq.s32 s7, s2  }
0x1e: {  	s7 =	smul.u32 @!p0 $0xF7A, s2;
	p2 =	seq.s32 @!p0 s5, $0x0  }
0x1f: {  	s9 =	smul.u32 $0xF7A, s1;
	s8 =	simm.s32 @!p0 $0x1BF5;
	p2 =	por !p2, p0  }
0x20: {  	[sflag:s8] =	ssyncset.s32 @!p0 $0xFFFFF086;
	s6 =	sadd.s32 @!p0 s3, s7;
	s7 =	simm.s32 @!p0 $0x108  }
0x21: {  	s3 =	sadd.s32 s3, s9;
	s6 =	sadd.s32 @!p0 $0x88, s6;
	s7 =	simm.s32 @p2 $0x1082  }
0x22: {  	[simem:s7], [sflag:s8] =	dma.local @!p0 [hbm:s6], $0xF7A  }
0x23: {  	s9 =	sor.u32 $0xD0000000, s2;
	s6 =	simm.s32 $0x108;
	_ =	swait.ge @!p0 [sflag:s8], $0x0  }
0x24: {  	s3 =	sadd.s32 $0x88, s3;
	s6 =	simm.s32 @!p1 $0x1082;
	[sflag:s4] =	ssyncset.s32 $0xFFFFF086  }
0x25: {  	[simem:s6], [sflag:s4] =	dma.local [hbm:s3], $0xF7A  }
0x26: {  	[smem:$0x3F9F] =	sst s1;
	(tag) =	ssettag s2;
	_ =	strace s9  }
0x27: {  	s1 =	sld [smem:$0x3FAF]  }
0x28: {  	s2 =	sld [smem:$0x3FB0]  }
0x29: {  	s4 =	sld [smem:$0x3FB2]  }
0x2a: {  	p0 =	seq.s32 s5, $0x0;
	s5 =	sld [smem:$0x3FB3]  }
0x2b: {  	s6 =	sld [smem:$0x3FB4]  }
0x2c: {  	s7 =	sld [smem:$0x3FB5]  }
0x2d: {  	s3 =	simm.s32 $0x108;
	s8 =	sld [smem:$0x3FB6]  }
0x2e: {  	s3 =	simm.s32 @!p0 $0x1082;
	s9 =	sld [smem:$0x3FB7]  }
0x2f: {  	lr =	sadd.s32 s0, s3;
	s0 =	sld [smem:$0x3FAE]  }
0x30: {  	s3 =	sld [smem:$0x3FB1]  }
0x31: {  	[smem:$0x3FBA] =	sst s10  }
0x32: {  	s10 =	sld [smem:$0x3FB8];
	_ =	sdelay $0x3  }
0x33: {  	p0 =	seq.s32 s10, $0x1;
	s10 =	sld [smem:$0x3FBA];
	_ =	sdelay $0x3  }
0x34: {  	[smem:$0x3FBA] =	sst s10  }
0x35: {  	s10 =	sld [smem:$0x3FB9];
	_ =	sdelay $0x3  }
0x36: {  	p1 =	seq.s32 s10, $0x1;
	s10 =	sld [smem:$0x3FBA];
	_ =	sdelay $0x3  }
0x37: {  	[smem:$0x3FBA] =	sst s10  }
0x38: {  	s10 =	sld [smem:$0x3FBB]  }
0x39: {  	_ = 	snop;
	(pc) =	sbr.ind lr, $3  }
0x3a: {  	_ = 	snop  }
0x3b: {  	_ = 	snop  }
0x3c: {  	p2 =	seq.s32 s10, $0x1;
	s10 =	sld [smem:$0x3FBA]  }
0x3d: {  	_ =	shalt  }
0x3e: {  	_ =	shalt  }
0x3f: {  	_ =	shalt  }
0x40: {  	_ =	shalt  }
0x41: {  	_ =	shalt  }
0x42: {  	_ =	shalt  }
0x43: {  	_ =	shalt  }
0x44: {  	_ =	shalt  }
0x45: {  	_ =	shalt  }
0x46: {  	_ =	shalt  }
0x47: {  	_ =	shalt  }
0x48: {  	_ =	shalt  }
0x49: {  	_ =	shalt  }
0x4a: {  	_ =	shalt  }
0x4b: {  	_ =	shalt  }
0x4c: {  	_ =	shalt  }
0x4d: {  	_ =	shalt  }
0x4e: {  	_ =	shalt  }
0x4f: {  	_ =	shalt  }
0x50: {  	_ =	shalt  }
0x51: {  	_ =	shalt  }
0x52: {  	_ =	shalt  }
0x53: {  	_ =	shalt  }
0x54: {  	_ =	shalt  }
0x55: {  	_ =	shalt  }
0x56: {  	_ =	shalt  }
0x57: {  	_ =	shalt  }
0x58: {  	_ =	shalt  }
0x59: {  	_ =	shalt  }
0x5a: {  	_ =	shalt  }
0x5b: {  	_ =	shalt  }
0x5c: {  	_ =	shalt  }
0x5d: {  	_ =	shalt  }
0x5e: {  	_ =	shalt  }
0x5f: {  	_ =	shalt  }
0x60: {  	_ =	shalt  }
0x61: {  	_ =	shalt  }
0x62: {  	_ =	shalt  }
0x63: {  	_ =	shalt  }
0x64: {  	_ =	shalt  }
0x65: {  	_ =	shalt  }
0x66: {  	_ =	shalt  }
0x67: {  	_ =	shalt  }
0x68: {  	_ =	shalt  }
0x69: {  	_ =	shalt  }
0x6a: {  	_ =	shalt  }
0x6b: {  	_ =	shalt  }
0x6c: {  	_ =	shalt  }
0x6d: {  	_ =	shalt  }
0x6e: {  	_ =	shalt  }
0x6f: {  	_ =	shalt  }
0x70: {  	_ =	shalt  }
0x71: {  	_ =	shalt  }
0x72: {  	_ =	shalt  }
0x73: {  	_ =	shalt  }
0x74: {  	_ =	shalt  }
0x75: {  	_ =	shalt  }
0x76: {  	_ =	shalt  }
0x77: {  	_ =	shalt  }
0x78: {  	_ =	shalt  }
0x79: {  	_ =	shalt  }
0x7a: {  	_ =	shalt  }
0x7b: {  	_ =	shalt  }
0x7c: {  	_ =	shalt  }
0x7d: {  	_ =	shalt  }
0x7e: {  	_ =	shalt  }
0x7f: {  	_ =	shalt  }
0x80: {  	_ =	shalt  }
0x81: {  	_ =	shalt  }
0x82: {  	_ =	shalt  }
0x83: {  	_ =	shalt  }
0x84: {  	_ =	shalt  }
0x85: {  	_ =	shalt  }
0x86: {  	_ =	shalt  }
0x87: {  	_ =	shalt  }
.Lfunc_end0:
.L_simem_size_0:
called_computation_lowered:
.L_overlay_start_0:
0x88: {  	s2 =	sld [smem:$0x3FD9]  }
0x89: {  	s3 =	sld [smem:$0x3FFE];
	_ =	sdelay $0x1  }
0x8a: {  	s1 =	srdreg.scid  }
0x8b: {  	s0 =	sand.u32 $0x1, s1  }
0x8c: {  	s16 =	sshll.u32 s0, $0xA;
	s2 =	sadd.s32 s3, s2  }
0x8d: {  	s2 =	sadd.s32 s2, s16  }
0x8e: {  	[smem:$0x3FC6] =	sst s2  }
0x8f: {  	_ = 	snop  }
0x90: {  	(tm) =	ssettm $0x1  }
0x91: {  	s17 =	sld [smem:$0x3FFB];
	_ =	sdelay $0x3  }
0x92: {  	_ =	strace s17  }
0x93: {  	s2 =	sld [smem:$0x3FFC];
	_ =	sdelay $0x3  }
0x94: {  	_ =	strace s2  }
0x95: {  	s2 =	sld [smem:$0x3FFD];
	_ =	sdelay $0x3  }
0x96: {  	_ =	strace s2  }
0x97: {  	_ =	strace $0x8FFFFFFF  }
0x98: {  	s18 =	sld [smem:$0x3FDB];
	_ =	sdelay $0x1  }
0x99: {  	s19 =	simm.s32 $_scs_section_size  }
0x9a: {  	s4 =	simm.s32 $_size__tile_overlayer_lowered;
	s5 =	simm.s32 $_tile_overlayer_lowered  }
0x9b: {  	s22 =	simm.s32 $0x1BFF;
	s21 =	sshll.u32 s5, $0x1;
	s2 =	sadd.s32 s19, s18  }
0x9c: {  	s6 =	simm.s32 $0x0;
	s20 =	sshll.u32 s4, $0x1;
	s4 =	sadd.s32 s21, s2  }
0x9d: {  	[timem:s6], [sflag:s22] =	dma.local [hbm:s4], s20  }
0x9e: {  	_ =	swait.ge [sflag:s22], s20  }
0x9f: {  	s3 =	ssub.s32 $0x0, s20;
	[sflag:s22] =	ssyncset.done $0x0  }
0xa0: {  	[sflag:s22] =	ssyncadd.s32 s3;
	_ =	sdelay $0x1  }
0xa1: {  	s23 =	simm.s32 $0x1B8B  }
0xa2: {  	_ =	swait.ge [sflag:s23], $0x1  }
0xa3: {  	[sflag:s23] =	ssyncset.done $0x0  }
0xa4: {  	s25 =	simm.s32 $0x1B8E;
	s24 =	sld [smem:$0x3FFE];
	[sflag:s23] =	ssyncadd.s32 $0xFFFFFFFF  }
0xa5: {  	s26 =	simm.s32 $execute0_lowered;
	[smem:$0x3FD2] =	sst s25  }
0xa6: {  	s4 =	sshll.u32 s26, $0x1;
	_ =	strace $0x80000046;
	[dreg:$0x1] =	wrdreg $0xFFFFFFFF  }
0xa7: {  	s28 =	simm.s32 $_size_execute0_lowered;
	s2 =	sadd.s32 s2, s4;
	[dreg:$0x0] =	wrdreg $0x0  }
0xa8: {  	s4 =	sshll.u32 s28, $0x1;
	[dreg:$0x2] =	wrdreg s2  }
0xa9: {  	[dreg:$0x3] =	wrdreg s4  }
0xaa: {  	[dreg:$0x4] =	wrdreg $0xC0  }
0xab: {  	_ =	task [dreg:s6], $0x5FFFF  }
0xac: {  	[dreg:$0x1] =	wrdreg $0xFFFFFFFF  }
0xad: {  	[dreg:$0x0] =	wrdreg $0x60  }
0xae: {  	[dreg:$0x2] =	wrdreg s24  }
0xaf: {  	[dreg:$0x3] =	wrdreg $0x9  }
0xb0: {  	_ =	task.clear_ibuf [dreg:s6], $0x4FFFF;
	_ =	strace $0x90000046  }
0xb1: {  	s29 =	simm.s32 $0x9;
	_ =	strace $0x80000048  }
0xb2: {  	_ =	swait.ge [sflag:s29], $0x1  }
0xb3: {  	[sflag:s29] =	ssyncadd.s32 $0xFFFFFFFF  }
0xb4: {  	_ =	strace $0x90000048  }
0xb5: {  	_ =	sfence  }
0xb6: {  	s30 =	sld [smem:$0x0];
	_ =	sdelay $0x2  }
0xb7: {  	s31 =	sshll.u32 s1, $0xD;
	s1 =	sshrl.u32 s1, $0x2  }
0xb8: {  	s3 =	sand.u32 $0x4000, s31;
	s1 =	sadd.s32 s1, s30  }
0xb9: {  	s0 =	sor.u32 s3, s0;
	s1 =	sshll.u32 s1, $0x11  }
0xba: {  	s0 =	sor.u32 s1, s0  }
0xbb: {  	s0 =	sadd.s32 $0x8F2B, s0  }
0xbc: {  	[sflag:s0] =	ssyncadd.remote.s32 $0x1  }
0xbd: {  	_ =	sfence.sel $0xFFFF  }
0xbe: {  	[dreg:$0x0] =	wrdreg $0xFFFFFFFF;
	(pc) =	sbr.abs _section_cstart, $3  }
0xbf: {  	[dreg:$0x1] =	wrdreg $0xFFFFFFFF  }
0xc0: {  	_ =	task.clear_ibuf [dreg:s6], $0x2FFFF;
	_ =	strace $0x9FFFFFFF  }
0xc1: {  	(tm) =	ssettm $0x7FFFFFFF  }
tec
execute0_lowered:
.L_overlay_start_1:
0x0: {  	(tag) =	ssettag $0x1  }
0x1: {  	s1 =	srdreg.scid;
	s0 =	stileid.u32  }
0x2: {  	s2 =	rddreg [dreg:$0x0];
	s3 =	simm.s32 $0x0;
	s12 =	simm.s32 $0x1  }
0x3: {  	s13 =	simm.s32 $0x2780;
	s14 =	simm.s32 $0x4F00;
	s15 =	simm.s32 $0x7680  }
0x4: {  	s16 =	simm.s32 $0x8A80;
	s17 =	simm.s32 $0x9E80;
	s18 =	simm.s32 $0xB280  }
0x5: {  	s19 =	simm.s32 $0xC680;
	s4 =	sand.u32 $0x1, s1;
	s5 =	sshll.u32 s0, $0x1  }
0x6: {  	s20 =	simm.s32 $0x0;
	s1 =	rddreg [dreg:$0x1];
	s5 =	sor.u32 s4, s5  }
0x7: {  	[smem:$0x7FF] =	sst s3;
	s7 =	ssub.s32 $0x2, s4;
	s6 =	smul.u32 $0x280, s5  }
0x8: {  	_ =	strace $0x80000047;
	s4 =	sadd.s32 $0xC00, s2;
	s8 =	sshrl.u32 s7, $0x1  }
0x9: {  	s5 =	sadd.s32 $0x600, s2;
	s11 =	ssub.s32 s7, s8;
	s10 =	sadd.s32 s6, s2  }
0xa: {  	s11 =	smax.u32 s11, $0x1;
	s6 =	sadd.s32 $0x6200, s10;
	s7 =	sadd.s32 $0x1200, s10  }
0xb: {  	s8 =	sadd.s32 $0xB200, s10;
	s9 =	sadd.s32 $0x10200, s10;
	s10 =	sadd.s32 $0x15200, s10  }
.LBB2_1:
0xc: {  	[tilespmem:s3], [sflag:$0x1] =	stream.linear.gather [hbm4b:s4+s3], $0x2780, $0x38;
	[tilespmem:$0xDA80] =	vst v63  }
0xd: {  	_ =	swait.ge [sflag:s12], $0x2780  }
0xe: {  	[sflag:s12] =	ssyncset.done $0x0  }
0xf: {  	[sflag:s12] =	ssyncadd.s32 $0xFFFFD880  }
0x10: {  	[tilespmem:s13], [sflag:$0x1] =	stream.linear.gather [hbm4b:s5+s3], $0x2780, $0x38;
	[tilespmem:$0xDA80] =	vst v63  }
0x11: {  	_ =	swait.ge [sflag:s12], $0x2780  }
0x12: {  	[sflag:s12] =	ssyncset.done $0x0  }
0x13: {  	[sflag:s12] =	ssyncadd.s32 $0xFFFFD880  }
0x14: {  	[tilespmem:s14], [sflag:$0x1] =	stream.linear.gather [hbm4b:s2+s3], $0x2780, $0x38;
	[tilespmem:$0xDA80] =	vst v63  }
0x15: {  	_ =	swait.ge [sflag:s12], $0x2780  }
0x16: {  	[sflag:s12] =	ssyncset.done $0x0  }
0x17: {  	[sflag:s12] =	ssyncadd.s32 $0xFFFFD880  }
0x18: {  	[tilespmem:s15], [sflag:$0x1] =	stream.linear.gather [hbm4b:s6+s3], $0x1400, $0x38;
	[tilespmem:$0xDA80] =	vst v63  }
0x19: {  	_ =	swait.ge [sflag:s12], $0x1400  }
0x1a: {  	[sflag:s12] =	ssyncset.done $0x0  }
0x1b: {  	[sflag:s12] =	ssyncadd.s32 $0xFFFFEC00  }
0x1c: {  	[tilespmem:s16], [sflag:$0x1] =	stream.linear.gather [hbm4b:s7+s3], $0x1400, $0x38;
	[tilespmem:$0xDA80] =	vst v63  }
0x1d: {  	_ =	swait.ge [sflag:s12], $0x1400  }
0x1e: {  	[sflag:s12] =	ssyncset.done $0x0  }
0x1f: {  	s21 =	simm.s32 $0x0;
	[sflag:s12] =	ssyncadd.s32 $0xFFFFEC00  }
0x20: {  	v0 =	vld [tilespmem:s21+$0x7680]  }
0x21: {  	v1 =	vld [tilespmem:s21+$0x8A80];
	_ =	sdelay $0x6  }
0x22: {  	v2 =	vld.idx.msk [tilespmem:v0+s3+$0x0], $0xffff  }
0x23: {  	v3 =	vld.idx.msk [tilespmem:v1+s3+$0x0], $0xffff;
	_ =	sdelay $0x4  }
0x24: {  	v2 =	vsub.f32 v3, v2;
	_ =	sdelay $0x1  }
0x25: {  	[tilespmem:s21+$0x9E80] =	vst v2  }
0x26: {  	v2 =	vld.idx.msk [tilespmem:v1+s13+$0x0], $0xffff  }
0x27: {  	v3 =	vld.idx.msk [tilespmem:v0+s13+$0x0], $0xffff;
	_ =	sdelay $0x4  }
0x28: {  	v2 =	vsub.f32 v2, v3;
	_ =	sdelay $0x1  }
0x29: {  	[tilespmem:s21+$0xB280] =	vst v2  }
0x2a: {  	v2 =	vld.idx.msk [tilespmem:v1+s14+$0x0], $0xffff  }
0x2b: {  	s23 =	simm.s32 $0x10;
	v3 =	vld.idx.msk [tilespmem:v0+s14+$0x0], $0xffff  }
0x2c: {  	v0 =	vld [tilespmem:s23+$0x7680]  }
0x2d: {  	s22 =	simm.s32 $0x80;
	v1 =	vld [tilespmem:s23+$0x8A80]  }
.LBB2_2:
0x2e: {  	_ =	sdelay $0x1  }
0x2f: {  	p0 =	sne.s32 s22, $0x4FC0;
	s24 =	smov.u32 s22;
	s22 =	sadd.s32 $0x40, s22  }
0x30: {  	v2 =	vsub.f32 v2, v3;
	_ =	sdelay $0x1  }
0x31: {  	[tilespmem:s21+$0xC680] =	vst v2;
	s21 =	smov.u32 s23  }
0x32: {  	v2 =	vld.idx.msk [tilespmem:v0+s3+$0x0], $0xffff  }
0x33: {  	v3 =	vld.idx.msk [tilespmem:v1+s3+$0x0], $0xffff;
	_ =	sdelay $0x5  }
0x34: {  	v2 =	vsub.f32 v3, v2;
	_ =	sdelay $0x1  }
0x35: {  	[tilespmem:s21+$0x9E80] =	vst v2  }
0x36: {  	v2 =	vld.idx.msk [tilespmem:v1+s13+$0x0], $0xffff  }
0x37: {  	v3 =	vld.idx.msk [tilespmem:v0+s13+$0x0], $0xffff;
	_ =	sdelay $0x5  }
0x38: {  	v2 =	vsub.f32 v2, v3;
	_ =	sdelay $0x1  }
.Ltmp0:
0x39: {  	[tilespmem:s21+$0xB280] =	vst v2;
	(pc) =	sbr.rel @p0 .LBB2_2-.Ltmp0, $4  }
0x3a: {  	v2 =	vld.idx.msk [tilespmem:v1+s14+$0x0], $0xffff  }
0x3b: {  	s23 =	sshra.s32 s24, $0x2;
	v3 =	vld.idx.msk [tilespmem:v0+s14+$0x0], $0xffff  }
0x3c: {  	v0 =	vld [tilespmem:s23+$0x7680]  }
0x3d: {  	v1 =	vld [tilespmem:s23+$0x8A80]  }
0x3e: {  	_ =	sdelay $0x3  }
0x3f: {  	v2 =	vsub.f32 v2, v3;
	_ =	sdelay $0x1  }
0x40: {  	[tilespmem:s21+$0xC680] =	vst v2  }
0x41: {  	v2 =	vld.idx.msk [tilespmem:v0+s3+$0x0], $0xffff  }
0x42: {  	v60 =	vld.idx.msk [tilespmem:v1+s3+$0x0], $0xffff;
	_ =	sdelay $0x4  }
0x43: {  	v2 =	vsub.f32 v60, v2;
	_ =	sdelay $0x1  }
0x44: {  	[tilespmem:s23+$0x9E80] =	vst v2  }
0x45: {  	v2 =	vld.idx.msk [tilespmem:v1+s13+$0x0], $0xffff  }
0x46: {  	v61 =	vld.idx.msk [tilespmem:v0+s13+$0x0], $0xffff;
	_ =	sdelay $0x4  }
0x47: {  	v2 =	vsub.f32 v2, v61;
	_ =	sdelay $0x1  }
0x48: {  	[tilespmem:s23+$0xB280] =	vst v2  }
0x49: {  	v62 =	vld.idx.msk [tilespmem:v1+s14+$0x0], $0xffff  }
0x4a: {  	v63 =	vld.idx.msk [tilespmem:v0+s14+$0x0], $0xffff;
	_ =	sdelay $0x4  }
0x4b: {  	v0 =	vsub.f32 v62, v63;
	_ =	sdelay $0x1  }
0x4c: {  	[tilespmem:s23+$0xC680] =	vst v0  }
0x4d: {  	[hbm4b:s8+s3] =	stream.linear.scatter [tilespmem:s17], [sflag:$0x1], $0x1400, $0x38;
	[tilespmem:$0xDA80] =	vst v63  }
0x4e: {  	_ =	swait.ge [sflag:s12], $0x1400  }
0x4f: {  	[sflag:s12] =	ssyncset.done $0x0  }
0x50: {  	[sflag:s12] =	ssyncadd.s32 $0xFFFFEC00  }
0x51: {  	[hbm4b:s9+s3] =	stream.linear.scatter [tilespmem:s18], [sflag:$0x1], $0x1400, $0x38;
	[tilespmem:$0xDA80] =	vst v63  }
0x52: {  	s20 =	sadd.s32 $0x1, s20;
	_ =	swait.ge [sflag:s12], $0x1400  }
0x53: {  	p0 =	sne.s32 s20, s11;
	[sflag:s12] =	ssyncset.done $0x0  }
.Ltmp1:
0x54: {  	[sflag:s12] =	ssyncadd.s32 $0xFFFFEC00;
	(pc) =	sbr.rel @p0 .LBB2_1-.Ltmp1, $4  }
0x55: {  	[hbm4b:s10+s3] =	stream.linear.scatter [tilespmem:s19], [sflag:$0x1], $0x1400, $0x38;
	[tilespmem:$0xDA80] =	vst v63  }
0x56: {  	_ =	swait.ge [sflag:s12], $0x1400  }
0x57: {  	[sflag:s12] =	ssyncset.done $0x0  }
0x58: {  	[sflag:s12] =	ssyncadd.s32 $0xFFFFEC00  }
0x59: {  	_ =	sfence.sel $0x180000  }
0x5a: {  	[bflag:$0x0] =	sbarrier.arrive $0xFFFF  }
0x5b: {  	p0 =	sne.s32 s0, $0x0;
	_ =	strace $0x90000047  }
0x5c: {  	s0 =	sadd.s32 @!p0 $0x100000, s1;
	[bflag:$0x2] =	sbarrier.arrive $0xFFFF  }
0x5d: {  	[sflag:s0] =	ssyncadd.tile.s32 @!p0 $0x1;
	_ =	shalt  }
.Lfunc_end2:
_tile_overlayer_lowered:
.L_overlay_start_2:
0x5e: {  	(tag) =	ssettag $0x2  }
0x5f: {  	s0 =	rddreg [dreg:$0x0];
	s2 =	stileid.u32  }
0x60: {  	s1 =	rddreg [dreg:$0x1];
	p0 =	sne.s32 s2, $0x0  }
0x61: {  	s3 =	rddreg [dreg:$0x2];
	[bflag:$0x3] =	sbarrier.arrive $0xFFFF;
	s2 =	simm.s32 @!p0 $0x1C01  }
0x62: {  	[timem:s3], [sflag:s2] =	dma.local @!p0 [hbm:s0], s1  }
0x63: {  	s0 =	simm.s32 @!p0 $0x1  }
0x64: {  	_ =	swait.ge @!p0 [sflag:s0], s1  }
0x65: {  	s1 =	ssub.s32 @!p0 $0x0, s1;
	[sflag:s0] =	ssyncset.done @!p0 $0x0  }
0x66: {  	[sflag:s0] =	ssyncadd.s32 @!p0 s1  }
0x67: {  	[bflag:$0x3] =	sbarrier.arrive $0xFFFF  }
0x68: {  	_ =	shalt  }

</sc_bundles>
